<compile_context>
chip_gen: v7x
topology: tpu7x:2x2x1
jax: 0.10.2.dev20260603
libtpu: 0.0.44.dev20260713+nightly
codegen_flags: <defaults>
</compile_context>

<pallas_src>
import functools

import jax
import jax.numpy as jnp
from jax import lax
from jax.experimental import pallas as pl
from jax.experimental.pallas import tpu as pltpu
from jax.experimental.pallas import tpu_sc as plsc

_EMB_DIM = 128
_NUM_SEG = 26
_BATCH = 16384
_ROW = _NUM_SEG * _EMB_DIM
_CHUNK_ROWS = 128
_NBUF = 4


def _permute_sc(pooled_embs):
    info = plsc.get_sparse_core_info()
    num_workers = info.num_cores * info.num_subcores
    rows_per_w = _BATCH // num_workers
    n_rchunks = rows_per_w // _CHUNK_ROWS
    assert n_rchunks == _NBUF
    mesh = plsc.VectorSubcoreMesh(core_axis_name="c", subcore_axis_name="s")

    @functools.partial(
        pl.kernel,
        mesh=mesh,
        out_type=jax.ShapeDtypeStruct((_BATCH, _ROW), jnp.float32),
        scratch_types=(
            [pltpu.VMEM((_CHUNK_ROWS, _EMB_DIM), jnp.float32)] * _NBUF
            + [pltpu.SemaphoreType.DMA] * (2 * _NBUF)
        ),
    )
    def k(in_hbm, out_hbm, *scr):
        bufs = scr[:_NBUF]
        gsems = scr[_NBUF : 2 * _NBUF]
        ssems = scr[2 * _NBUF :]
        wid = lax.axis_index("s") * info.num_cores + lax.axis_index("c")
        row_base = wid * rows_per_w
        stag = lax.rem(wid, _NUM_SEG)

        def rot(j):
            jr = j + stag
            return jnp.where(jr >= _NUM_SEG, jr - _NUM_SEG, jr)

        def gather(j, c, slot):
            src_col = (_NUM_SEG - 1 - rot(j)) * _EMB_DIM
            h = pltpu.make_async_copy(
                in_hbm.at[
                    pl.ds(row_base + c * _CHUNK_ROWS, _CHUNK_ROWS),
                    pl.ds(src_col, _EMB_DIM),
                ],
                bufs[slot],
                gsems[slot],
            )
            h.start()
            return h

        def scatter(j, c, slot):
            h = pltpu.make_async_copy(
                bufs[slot],
                out_hbm.at[
                    pl.ds(row_base + c * _CHUNK_ROWS, _CHUNK_ROWS),
                    pl.ds(rot(j) * _EMB_DIM, _EMB_DIM),
                ],
                ssems[slot],
            )
            h.start()
            return h

        dummy_in = in_hbm.at[pl.ds(0, _CHUNK_ROWS), pl.ds(0, _EMB_DIM)]
        dummy_out = out_hbm.at[pl.ds(0, _CHUNK_ROWS), pl.ds(0, _EMB_DIM)]

        def wait_gather(slot):
            pltpu.make_async_copy(dummy_in, bufs[slot], gsems[slot]).wait()

        def wait_scatter(slot):
            pltpu.make_async_copy(bufs[slot], dummy_out, ssems[slot]).wait()

        gather(0, 0, 0)
        gather(0, 1, 1)
        wait_gather(0)
        scatter(0, 0, 0)
        gather(0, 2, 2)
        wait_gather(1)
        scatter(0, 1, 1)
        gather(0, 3, 3)

        def body(kk, carry):
            for b in range(4):
                if b < 2:
                    j, c = kk, 2 + b
                else:
                    j, c = kk + 1, b - 2
                slot = (2 + b) % 4
                wait_gather(slot)
                scatter(j, c, slot)
                wait_scatter(b)
                gather(kk + 1, b, b)
            return carry

        lax.fori_loop(0, _NUM_SEG - 1, body, 0)

        wait_gather(2)
        scatter(_NUM_SEG - 1, 2, 2)
        wait_gather(3)
        scatter(_NUM_SEG - 1, 3, 3)
        for slot in range(4):
            wait_scatter(slot)

    return k(pooled_embs)


def kernel(pooled_embs):
    return _permute_sc(pooled_embs)

# --- scband reference (transcript-rebuilt; emitter-appended) ---
"""Pipeline reference for scband-permute-pooled-embeddings-12472585028200 (READ-ONLY COPY).

The authoritative reference and input builder live on the scoring server;
editing this copy changes nothing except your own understanding.
"""

import jax, jax.numpy as jnp
import numpy as np

EMBS_DIMS = [128] * 26
PERMUTE = list(range(25, -1, -1))
OFFSETS = [0] + list(np.cumsum(EMBS_DIMS))
BATCH = 16384


def setup_inputs(seed: int = 0) -> dict:
    key = jax.random.key(seed)
    pooled_embs = jax.random.normal(key, (BATCH, sum(EMBS_DIMS)), dtype=jnp.float32)
    return {"pooled_embs": pooled_embs}


def reference(pooled_embs):
    # Faithful translation of fbgemm.permute_pooled_embs_auto_grad forward:
    # the pooled embedding row is a concatenation of per-table pooled segments
    # of widths EMBS_DIMS; the op reorders those segments according to PERMUTE.
    pieces = [pooled_embs[:, OFFSETS[p]:OFFSETS[p + 1]] for p in PERMUTE]
    return jnp.concatenate(pieces, axis=1)

if __name__ == "__main__":
    import jax
    _d = setup_inputs()
    print(jax.jit(kernel)(*tuple(_d.values())))

</pallas_src>

<mosaic_0001>
#map = affine_map<(d0, d1) -> (0, 0)>
module attributes {stable_mosaic.version = 14 : i64} {
  func.func @k(%arg0: i32, %arg1: i32, %arg2: memref<16384x3328xf32, #tpu.memory_space<hbm>>, %arg3: memref<16384x3328xf32, #tpu.memory_space<hbm>>, %arg4: memref<128x128xf32, #tpu.memory_space<vmem>>, %arg5: memref<128x128xf32, #tpu.memory_space<vmem>>, %arg6: memref<128x128xf32, #tpu.memory_space<vmem>>, %arg7: memref<128x128xf32, #tpu.memory_space<vmem>>, %arg8: memref<!tpu.dma_semaphore, #tpu.memory_space<semaphore_mem>>, %arg9: memref<!tpu.dma_semaphore, #tpu.memory_space<semaphore_mem>>, %arg10: memref<!tpu.dma_semaphore, #tpu.memory_space<semaphore_mem>>, %arg11: memref<!tpu.dma_semaphore, #tpu.memory_space<semaphore_mem>>, %arg12: memref<!tpu.dma_semaphore, #tpu.memory_space<semaphore_mem>>, %arg13: memref<!tpu.dma_semaphore, #tpu.memory_space<semaphore_mem>>, %arg14: memref<!tpu.dma_semaphore, #tpu.memory_space<semaphore_mem>>, %arg15: memref<!tpu.dma_semaphore, #tpu.memory_space<semaphore_mem>>) attributes {dimension_semantics = [#tpu.dimension_semantics<core_parallel>, #tpu.dimension_semantics<subcore_parallel>], iteration_bounds = array<i64: 2, 16>, scalar_prefetch = 0 : i64, scratch_operands = 12 : i64, tpu.core_type = #tpu.core_type<sc_vector_subcore>, window_params = [{transform_indices = #map}, {transform_indices = #map}]} {
    %mul3A = arith.constant 2 : i32
    %mul3A_0 = arith.muli %arg1, %mul3A : i32
    %add3A = arith.addi %mul3A_0, %arg0 : i32
    %mul3A_1 = arith.constant 512 : i32
    %mul3A_2 = arith.muli %add3A, %mul3A_1 : i32
    %rem3A = arith.constant 26 : i32
    %rem3A_3 = arith.remsi %add3A, %rem3A : i32
    %add3A_4 = arith.constant 0 : i32
    %add3A_5 = arith.addi %add3A_4, %rem3A_3 : i32
    %ge3A = arith.constant 26 : i32
    %ge3A_6 = arith.cmpi sge, %add3A_5, %ge3A : i32
    %sub3A = arith.constant 26 : i32
    %sub3A_7 = arith.subi %add3A_5, %sub3A : i32
    %select_n3A = arith.select %ge3A_6, %sub3A_7, %add3A_5 : i32
    %sub3A_8 = arith.constant 25 : i32
    %sub3A_9 = arith.subi %sub3A_8, %select_n3A : i32
    %mul3A_10 = arith.constant 128 : i32
    %mul3A_11 = arith.muli %sub3A_9, %mul3A_10 : i32
    %add3A_12 = arith.constant 0 : i32
    %add3A_13 = arith.addi %mul3A_2, %add3A_12 : i32
    %dma_start3A = tpu.memref_slice %arg2[%add3A_13, %mul3A_11] : memref<16384x3328xf32, #tpu.memory_space<hbm>> -> memref<128x128xf32, #tpu.memory_space<hbm>>
    %dma_start3A_14 = tpu.memref_slice %arg2[%add3A_13, %mul3A_11] : memref<16384x3328xf32, #tpu.memory_space<hbm>> -> memref<128x128xf32, #tpu.memory_space<hbm>>
    tpu.enqueue_dma source(%dma_start3A_14 : memref<128x128xf32, #tpu.memory_space<hbm>>) target(%arg4 : memref<128x128xf32, #tpu.memory_space<vmem>>) target_semaphore(%arg8 : memref<!tpu.dma_semaphore, #tpu.memory_space<semaphore_mem>>)
    %add3A_15 = arith.constant 0 : i32
    %add3A_16 = arith.addi %add3A_15, %rem3A_3 : i32
    %ge3A_17 = arith.constant 26 : i32
    %ge3A_18 = arith.cmpi sge, %add3A_16, %ge3A_17 : i32
    %sub3A_19 = arith.constant 26 : i32
    %sub3A_20 = arith.subi %add3A_16, %sub3A_19 : i32
    %select_n3A_21 = arith.select %ge3A_18, %sub3A_20, %add3A_16 : i32
    %sub3A_22 = arith.constant 25 : i32
    %sub3A_23 = arith.subi %sub3A_22, %select_n3A_21 : i32
    %mul3A_24 = arith.constant 128 : i32
    %mul3A_25 = arith.muli %sub3A_23, %mul3A_24 : i32
    %add3A_26 = arith.constant 128 : i32
    %add3A_27 = arith.addi %mul3A_2, %add3A_26 : i32
    %dma_start3A_28 = tpu.memref_slice %arg2[%add3A_27, %mul3A_25] : memref<16384x3328xf32, #tpu.memory_space<hbm>> -> memref<128x128xf32, #tpu.memory_space<hbm>>
    %dma_start3A_29 = tpu.memref_slice %arg2[%add3A_27, %mul3A_25] : memref<16384x3328xf32, #tpu.memory_space<hbm>> -> memref<128x128xf32, #tpu.memory_space<hbm>>
    tpu.enqueue_dma source(%dma_start3A_29 : memref<128x128xf32, #tpu.memory_space<hbm>>) target(%arg5 : memref<128x128xf32, #tpu.memory_space<vmem>>) target_semaphore(%arg9 : memref<!tpu.dma_semaphore, #tpu.memory_space<semaphore_mem>>)
    %dma_wait3A = arith.constant 0 : i32
    %dma_wait3A_30 = arith.constant 0 : i32
    %dma_wait3A_31 = tpu.memref_slice %arg2[%dma_wait3A, %dma_wait3A_30] : memref<16384x3328xf32, #tpu.memory_space<hbm>> -> memref<128x128xf32, #tpu.memory_space<hbm>>
    %dma_wait3A_32 = arith.constant 0 : i32
    %dma_wait3A_33 = arith.constant 0 : i32
    %dma_wait3A_34 = tpu.memref_slice %arg2[%dma_wait3A_32, %dma_wait3A_33] : memref<16384x3328xf32, #tpu.memory_space<hbm>> -> memref<128x128xf32, #tpu.memory_space<hbm>>
    tpu.wait_dma2 semaphore(%arg8 : memref<!tpu.dma_semaphore, #tpu.memory_space<semaphore_mem>>) src(%dma_wait3A_34 : memref<128x128xf32, #tpu.memory_space<hbm>>) dst(%arg4 : memref<128x128xf32, #tpu.memory_space<vmem>>)
    %add3A_35 = arith.constant 0 : i32
    %add3A_36 = arith.addi %mul3A_2, %add3A_35 : i32
    %add3A_37 = arith.constant 0 : i32
    %add3A_38 = arith.addi %add3A_37, %rem3A_3 : i32
    %ge3A_39 = arith.constant 26 : i32
    %ge3A_40 = arith.cmpi sge, %add3A_38, %ge3A_39 : i32
    %sub3A_41 = arith.constant 26 : i32
    %sub3A_42 = arith.subi %add3A_38, %sub3A_41 : i32
    %select_n3A_43 = arith.select %ge3A_40, %sub3A_42, %add3A_38 : i32
    %mul3A_44 = arith.constant 128 : i32
    %mul3A_45 = arith.muli %select_n3A_43, %mul3A_44 : i32
    %dma_start3A_46 = tpu.memref_slice %arg3[%add3A_36, %mul3A_45] : memref<16384x3328xf32, #tpu.memory_space<hbm>> -> memref<128x128xf32, #tpu.memory_space<hbm>>
    %dma_start3A_47 = tpu.memref_slice %arg3[%add3A_36, %mul3A_45] : memref<16384x3328xf32, #tpu.memory_space<hbm>> -> memref<128x128xf32, #tpu.memory_space<hbm>>
    tpu.enqueue_dma source(%arg4 : memref<128x128xf32, #tpu.memory_space<vmem>>) target(%dma_start3A_47 : memref<128x128xf32, #tpu.memory_space<hbm>>) target_semaphore(%arg12 : memref<!tpu.dma_semaphore, #tpu.memory_space<semaphore_mem>>)
    %add3A_48 = arith.constant 0 : i32
    %add3A_49 = arith.addi %add3A_48, %rem3A_3 : i32
    %ge3A_50 = arith.constant 26 : i32
    %ge3A_51 = arith.cmpi sge, %add3A_49, %ge3A_50 : i32
    %sub3A_52 = arith.constant 26 : i32
    %sub3A_53 = arith.subi %add3A_49, %sub3A_52 : i32
    %select_n3A_54 = arith.select %ge3A_51, %sub3A_53, %add3A_49 : i32
    %sub3A_55 = arith.constant 25 : i32
    %sub3A_56 = arith.subi %sub3A_55, %select_n3A_54 : i32
    %mul3A_57 = arith.constant 128 : i32
    %mul3A_58 = arith.muli %sub3A_56, %mul3A_57 : i32
    %add3A_59 = arith.constant 256 : i32
    %add3A_60 = arith.addi %mul3A_2, %add3A_59 : i32
    %dma_start3A_61 = tpu.memref_slice %arg2[%add3A_60, %mul3A_58] : memref<16384x3328xf32, #tpu.memory_space<hbm>> -> memref<128x128xf32, #tpu.memory_space<hbm>>
    %dma_start3A_62 = tpu.memref_slice %arg2[%add3A_60, %mul3A_58] : memref<16384x3328xf32, #tpu.memory_space<hbm>> -> memref<128x128xf32, #tpu.memory_space<hbm>>
    tpu.enqueue_dma source(%dma_start3A_62 : memref<128x128xf32, #tpu.memory_space<hbm>>) target(%arg6 : memref<128x128xf32, #tpu.memory_space<vmem>>) target_semaphore(%arg10 : memref<!tpu.dma_semaphore, #tpu.memory_space<semaphore_mem>>)
    %dma_wait3A_63 = arith.constant 0 : i32
    %dma_wait3A_64 = arith.constant 0 : i32
    %dma_wait3A_65 = tpu.memref_slice %arg2[%dma_wait3A_63, %dma_wait3A_64] : memref<16384x3328xf32, #tpu.memory_space<hbm>> -> memref<128x128xf32, #tpu.memory_space<hbm>>
    %dma_wait3A_66 = arith.constant 0 : i32
    %dma_wait3A_67 = arith.constant 0 : i32
    %dma_wait3A_68 = tpu.memref_slice %arg2[%dma_wait3A_66, %dma_wait3A_67] : memref<16384x3328xf32, #tpu.memory_space<hbm>> -> memref<128x128xf32, #tpu.memory_space<hbm>>
    tpu.wait_dma2 semaphore(%arg9 : memref<!tpu.dma_semaphore, #tpu.memory_space<semaphore_mem>>) src(%dma_wait3A_68 : memref<128x128xf32, #tpu.memory_space<hbm>>) dst(%arg5 : memref<128x128xf32, #tpu.memory_space<vmem>>)
    %add3A_69 = arith.constant 128 : i32
    %add3A_70 = arith.addi %mul3A_2, %add3A_69 : i32
    %add3A_71 = arith.constant 0 : i32
    %add3A_72 = arith.addi %add3A_71, %rem3A_3 : i32
    %ge3A_73 = arith.constant 26 : i32
    %ge3A_74 = arith.cmpi sge, %add3A_72, %ge3A_73 : i32
    %sub3A_75 = arith.constant 26 : i32
    %sub3A_76 = arith.subi %add3A_72, %sub3A_75 : i32
    %select_n3A_77 = arith.select %ge3A_74, %sub3A_76, %add3A_72 : i32
    %mul3A_78 = arith.constant 128 : i32
    %mul3A_79 = arith.muli %select_n3A_77, %mul3A_78 : i32
    %dma_start3A_80 = tpu.memref_slice %arg3[%add3A_70, %mul3A_79] : memref<16384x3328xf32, #tpu.memory_space<hbm>> -> memref<128x128xf32, #tpu.memory_space<hbm>>
    %dma_start3A_81 = tpu.memref_slice %arg3[%add3A_70, %mul3A_79] : memref<16384x3328xf32, #tpu.memory_space<hbm>> -> memref<128x128xf32, #tpu.memory_space<hbm>>
    tpu.enqueue_dma source(%arg5 : memref<128x128xf32, #tpu.memory_space<vmem>>) target(%dma_start3A_81 : memref<128x128xf32, #tpu.memory_space<hbm>>) target_semaphore(%arg13 : memref<!tpu.dma_semaphore, #tpu.memory_space<semaphore_mem>>)
    %add3A_82 = arith.constant 0 : i32
    %add3A_83 = arith.addi %add3A_82, %rem3A_3 : i32
    %ge3A_84 = arith.constant 26 : i32
    %ge3A_85 = arith.cmpi sge, %add3A_83, %ge3A_84 : i32
    %sub3A_86 = arith.constant 26 : i32
    %sub3A_87 = arith.subi %add3A_83, %sub3A_86 : i32
    %select_n3A_88 = arith.select %ge3A_85, %sub3A_87, %add3A_83 : i32
    %sub3A_89 = arith.constant 25 : i32
    %sub3A_90 = arith.subi %sub3A_89, %select_n3A_88 : i32
    %mul3A_91 = arith.constant 128 : i32
    %mul3A_92 = arith.muli %sub3A_90, %mul3A_91 : i32
    %add3A_93 = arith.constant 384 : i32
    %add3A_94 = arith.addi %mul3A_2, %add3A_93 : i32
    %dma_start3A_95 = tpu.memref_slice %arg2[%add3A_94, %mul3A_92] : memref<16384x3328xf32, #tpu.memory_space<hbm>> -> memref<128x128xf32, #tpu.memory_space<hbm>>
    %dma_start3A_96 = tpu.memref_slice %arg2[%add3A_94, %mul3A_92] : memref<16384x3328xf32, #tpu.memory_space<hbm>> -> memref<128x128xf32, #tpu.memory_space<hbm>>
    tpu.enqueue_dma source(%dma_start3A_96 : memref<128x128xf32, #tpu.memory_space<hbm>>) target(%arg7 : memref<128x128xf32, #tpu.memory_space<vmem>>) target_semaphore(%arg11 : memref<!tpu.dma_semaphore, #tpu.memory_space<semaphore_mem>>)
    %scan3A = arith.constant 0 : i32
    %scan3A_97 = arith.constant 0 : i32
    %scan3A_98 = arith.constant 25 : i32
    %scan3A_99 = arith.addi %scan3A_97, %scan3A_98 : i32
    %scan3A_100 = arith.constant 1 : i32
    scf.for %scan3A_164 = %scan3A_97 to %scan3A_99 step %scan3A_100  : i32 {
      %dma_wait3A_165 = arith.constant 0 : i32
      %dma_wait3A_166 = arith.constant 0 : i32
      %dma_wait3A_167 = tpu.memref_slice %arg2[%dma_wait3A_165, %dma_wait3A_166] : memref<16384x3328xf32, #tpu.memory_space<hbm>> -> memref<128x128xf32, #tpu.memory_space<hbm>>
      %dma_wait3A_168 = arith.constant 0 : i32
      %dma_wait3A_169 = arith.constant 0 : i32
      %dma_wait3A_170 = tpu.memref_slice %arg2[%dma_wait3A_168, %dma_wait3A_169] : memref<16384x3328xf32, #tpu.memory_space<hbm>> -> memref<128x128xf32, #tpu.memory_space<hbm>>
      tpu.wait_dma2 semaphore(%arg10 : memref<!tpu.dma_semaphore, #tpu.memory_space<semaphore_mem>>) src(%dma_wait3A_170 : memref<128x128xf32, #tpu.memory_space<hbm>>) dst(%arg6 : memref<128x128xf32, #tpu.memory_space<vmem>>)
      %add3A_171 = arith.constant 256 : i32
      %add3A_172 = arith.addi %mul3A_2, %add3A_171 : i32
      %add3A_173 = arith.addi %scan3A_164, %rem3A_3 : i32
      %ge3A_174 = arith.constant 26 : i32
      %ge3A_175 = arith.cmpi sge, %add3A_173, %ge3A_174 : i32
      %sub3A_176 = arith.constant 26 : i32
      %sub3A_177 = arith.subi %add3A_173, %sub3A_176 : i32
      %select_n3A_178 = arith.select %ge3A_175, %sub3A_177, %add3A_173 : i32
      %mul3A_179 = arith.constant 128 : i32
      %mul3A_180 = arith.muli %select_n3A_178, %mul3A_179 : i32
      %dma_start3A_181 = tpu.memref_slice %arg3[%add3A_172, %mul3A_180] : memref<16384x3328xf32, #tpu.memory_space<hbm>> -> memref<128x128xf32, #tpu.memory_space<hbm>>
      %dma_start3A_182 = tpu.memref_slice %arg3[%add3A_172, %mul3A_180] : memref<16384x3328xf32, #tpu.memory_space<hbm>> -> memref<128x128xf32, #tpu.memory_space<hbm>>
      tpu.enqueue_dma source(%arg6 : memref<128x128xf32, #tpu.memory_space<vmem>>) target(%dma_start3A_182 : memref<128x128xf32, #tpu.memory_space<hbm>>) target_semaphore(%arg14 : memref<!tpu.dma_semaphore, #tpu.memory_space<semaphore_mem>>)
      %dma_wait3A_183 = arith.constant 0 : i32
      %dma_wait3A_184 = arith.constant 0 : i32
      %dma_wait3A_185 = tpu.memref_slice %arg3[%dma_wait3A_183, %dma_wait3A_184] : memref<16384x3328xf32, #tpu.memory_space<hbm>> -> memref<128x128xf32, #tpu.memory_space<hbm>>
      %dma_wait3A_186 = arith.constant 0 : i32
      %dma_wait3A_187 = arith.constant 0 : i32
      %dma_wait3A_188 = tpu.memref_slice %arg3[%dma_wait3A_186, %dma_wait3A_187] : memref<16384x3328xf32, #tpu.memory_space<hbm>> -> memref<128x128xf32, #tpu.memory_space<hbm>>
      tpu.wait_dma2 semaphore(%arg12 : memref<!tpu.dma_semaphore, #tpu.memory_space<semaphore_mem>>) src(%arg4 : memref<128x128xf32, #tpu.memory_space<vmem>>) dst(%dma_wait3A_188 : memref<128x128xf32, #tpu.memory_space<hbm>>)
      %add3A_189 = arith.constant 1 : i32
      %add3A_190 = arith.addi %scan3A_164, %add3A_189 : i32
      %add3A_191 = arith.addi %add3A_190, %rem3A_3 : i32
      %ge3A_192 = arith.constant 26 : i32
      %ge3A_193 = arith.cmpi sge, %add3A_191, %ge3A_192 : i32
      %sub3A_194 = arith.constant 26 : i32
      %sub3A_195 = arith.subi %add3A_191, %sub3A_194 : i32
      %select_n3A_196 = arith.select %ge3A_193, %sub3A_195, %add3A_191 : i32
      %sub3A_197 = arith.constant 25 : i32
      %sub3A_198 = arith.subi %sub3A_197, %select_n3A_196 : i32
      %mul3A_199 = arith.constant 128 : i32
      %mul3A_200 = arith.muli %sub3A_198, %mul3A_199 : i32
      %add3A_201 = arith.constant 0 : i32
      %add3A_202 = arith.addi %mul3A_2, %add3A_201 : i32
      %dma_start3A_203 = tpu.memref_slice %arg2[%add3A_202, %mul3A_200] : memref<16384x3328xf32, #tpu.memory_space<hbm>> -> memref<128x128xf32, #tpu.memory_space<hbm>>
      %dma_start3A_204 = tpu.memref_slice %arg2[%add3A_202, %mul3A_200] : memref<16384x3328xf32, #tpu.memory_space<hbm>> -> memref<128x128xf32, #tpu.memory_space<hbm>>
      tpu.enqueue_dma source(%dma_start3A_204 : memref<128x128xf32, #tpu.memory_space<hbm>>) target(%arg4 : memref<128x128xf32, #tpu.memory_space<vmem>>) target_semaphore(%arg8 : memref<!tpu.dma_semaphore, #tpu.memory_space<semaphore_mem>>)
      %dma_wait3A_205 = arith.constant 0 : i32
      %dma_wait3A_206 = arith.constant 0 : i32
      %dma_wait3A_207 = tpu.memref_slice %arg2[%dma_wait3A_205, %dma_wait3A_206] : memref<16384x3328xf32, #tpu.memory_space<hbm>> -> memref<128x128xf32, #tpu.memory_space<hbm>>
      %dma_wait3A_208 = arith.constant 0 : i32
      %dma_wait3A_209 = arith.constant 0 : i32
      %dma_wait3A_210 = tpu.memref_slice %arg2[%dma_wait3A_208, %dma_wait3A_209] : memref<16384x3328xf32, #tpu.memory_space<hbm>> -> memref<128x128xf32, #tpu.memory_space<hbm>>
      tpu.wait_dma2 semaphore(%arg11 : memref<!tpu.dma_semaphore, #tpu.memory_space<semaphore_mem>>) src(%dma_wait3A_210 : memref<128x128xf32, #tpu.memory_space<hbm>>) dst(%arg7 : memref<128x128xf32, #tpu.memory_space<vmem>>)
      %add3A_211 = arith.constant 384 : i32
      %add3A_212 = arith.addi %mul3A_2, %add3A_211 : i32
      %add3A_213 = arith.addi %scan3A_164, %rem3A_3 : i32
      %ge3A_214 = arith.constant 26 : i32
      %ge3A_215 = arith.cmpi sge, %add3A_213, %ge3A_214 : i32
      %sub3A_216 = arith.constant 26 : i32
      %sub3A_217 = arith.subi %add3A_213, %sub3A_216 : i32
      %select_n3A_218 = arith.select %ge3A_215, %sub3A_217, %add3A_213 : i32
      %mul3A_219 = arith.constant 128 : i32
      %mul3A_220 = arith.muli %select_n3A_218, %mul3A_219 : i32
      %dma_start3A_221 = tpu.memref_slice %arg3[%add3A_212, %mul3A_220] : memref<16384x3328xf32, #tpu.memory_space<hbm>> -> memref<128x128xf32, #tpu.memory_space<hbm>>
      %dma_start3A_222 = tpu.memref_slice %arg3[%add3A_212, %mul3A_220] : memref<16384x3328xf32, #tpu.memory_space<hbm>> -> memref<128x128xf32, #tpu.memory_space<hbm>>
      tpu.enqueue_dma source(%arg7 : memref<128x128xf32, #tpu.memory_space<vmem>>) target(%dma_start3A_222 : memref<128x128xf32, #tpu.memory_space<hbm>>) target_semaphore(%arg15 : memref<!tpu.dma_semaphore, #tpu.memory_space<semaphore_mem>>)
      %dma_wait3A_223 = arith.constant 0 : i32
      %dma_wait3A_224 = arith.constant 0 : i32
      %dma_wait3A_225 = tpu.memref_slice %arg3[%dma_wait3A_223, %dma_wait3A_224] : memref<16384x3328xf32, #tpu.memory_space<hbm>> -> memref<128x128xf32, #tpu.memory_space<hbm>>
      %dma_wait3A_226 = arith.constant 0 : i32
      %dma_wait3A_227 = arith.constant 0 : i32
      %dma_wait3A_228 = tpu.memref_slice %arg3[%dma_wait3A_226, %dma_wait3A_227] : memref<16384x3328xf32, #tpu.memory_space<hbm>> -> memref<128x128xf32, #tpu.memory_space<hbm>>
      tpu.wait_dma2 semaphore(%arg13 : memref<!tpu.dma_semaphore, #tpu.memory_space<semaphore_mem>>) src(%arg5 : memref<128x128xf32, #tpu.memory_space<vmem>>) dst(%dma_wait3A_228 : memref<128x128xf32, #tpu.memory_space<hbm>>)
      %add3A_229 = arith.constant 1 : i32
      %add3A_230 = arith.addi %scan3A_164, %add3A_229 : i32
      %add3A_231 = arith.addi %add3A_230, %rem3A_3 : i32
      %ge3A_232 = arith.constant 26 : i32
      %ge3A_233 = arith.cmpi sge, %add3A_231, %ge3A_232 : i32
      %sub3A_234 = arith.constant 26 : i32
      %sub3A_235 = arith.subi %add3A_231, %sub3A_234 : i32
      %select_n3A_236 = arith.select %ge3A_233, %sub3A_235, %add3A_231 : i32
      %sub3A_237 = arith.constant 25 : i32
      %sub3A_238 = arith.subi %sub3A_237, %select_n3A_236 : i32
      %mul3A_239 = arith.constant 128 : i32
      %mul3A_240 = arith.muli %sub3A_238, %mul3A_239 : i32
      %add3A_241 = arith.constant 128 : i32
      %add3A_242 = arith.addi %mul3A_2, %add3A_241 : i32
      %dma_start3A_243 = tpu.memref_slice %arg2[%add3A_242, %mul3A_240] : memref<16384x3328xf32, #tpu.memory_space<hbm>> -> memref<128x128xf32, #tpu.memory_space<hbm>>
      %dma_start3A_244 = tpu.memref_slice %arg2[%add3A_242, %mul3A_240] : memref<16384x3328xf32, #tpu.memory_space<hbm>> -> memref<128x128xf32, #tpu.memory_space<hbm>>
      tpu.enqueue_dma source(%dma_start3A_244 : memref<128x128xf32, #tpu.memory_space<hbm>>) target(%arg5 : memref<128x128xf32, #tpu.memory_space<vmem>>) target_semaphore(%arg9 : memref<!tpu.dma_semaphore, #tpu.memory_space<semaphore_mem>>)
      %add3A_245 = arith.constant 1 : i32
      %add3A_246 = arith.addi %scan3A_164, %add3A_245 : i32
      %dma_wait3A_247 = arith.constant 0 : i32
      %dma_wait3A_248 = arith.constant 0 : i32
      %dma_wait3A_249 = tpu.memref_slice %arg2[%dma_wait3A_247, %dma_wait3A_248] : memref<16384x3328xf32, #tpu.memory_space<hbm>> -> memref<128x128xf32, #tpu.memory_space<hbm>>
      %dma_wait3A_250 = arith.constant 0 : i32
      %dma_wait3A_251 = arith.constant 0 : i32
      %dma_wait3A_252 = tpu.memref_slice %arg2[%dma_wait3A_250, %dma_wait3A_251] : memref<16384x3328xf32, #tpu.memory_space<hbm>> -> memref<128x128xf32, #tpu.memory_space<hbm>>
      tpu.wait_dma2 semaphore(%arg8 : memref<!tpu.dma_semaphore, #tpu.memory_space<semaphore_mem>>) src(%dma_wait3A_252 : memref<128x128xf32, #tpu.memory_space<hbm>>) dst(%arg4 : memref<128x128xf32, #tpu.memory_space<vmem>>)
      %add3A_253 = arith.constant 0 : i32
      %add3A_254 = arith.addi %mul3A_2, %add3A_253 : i32
      %add3A_255 = arith.addi %add3A_246, %rem3A_3 : i32
      %ge3A_256 = arith.constant 26 : i32
      %ge3A_257 = arith.cmpi sge, %add3A_255, %ge3A_256 : i32
      %sub3A_258 = arith.constant 26 : i32
      %sub3A_259 = arith.subi %add3A_255, %sub3A_258 : i32
      %select_n3A_260 = arith.select %ge3A_257, %sub3A_259, %add3A_255 : i32
      %mul3A_261 = arith.constant 128 : i32
      %mul3A_262 = arith.muli %select_n3A_260, %mul3A_261 : i32
      %dma_start3A_263 = tpu.memref_slice %arg3[%add3A_254, %mul3A_262] : memref<16384x3328xf32, #tpu.memory_space<hbm>> -> memref<128x128xf32, #tpu.memory_space<hbm>>
      %dma_start3A_264 = tpu.memref_slice %arg3[%add3A_254, %mul3A_262] : memref<16384x3328xf32, #tpu.memory_space<hbm>> -> memref<128x128xf32, #tpu.memory_space<hbm>>
      tpu.enqueue_dma source(%arg4 : memref<128x128xf32, #tpu.memory_space<vmem>>) target(%dma_start3A_264 : memref<128x128xf32, #tpu.memory_space<hbm>>) target_semaphore(%arg12 : memref<!tpu.dma_semaphore, #tpu.memory_space<semaphore_mem>>)
      %dma_wait3A_265 = arith.constant 0 : i32
      %dma_wait3A_266 = arith.constant 0 : i32
      %dma_wait3A_267 = tpu.memref_slice %arg3[%dma_wait3A_265, %dma_wait3A_266] : memref<16384x3328xf32, #tpu.memory_space<hbm>> -> memref<128x128xf32, #tpu.memory_space<hbm>>
      %dma_wait3A_268 = arith.constant 0 : i32
      %dma_wait3A_269 = arith.constant 0 : i32
      %dma_wait3A_270 = tpu.memref_slice %arg3[%dma_wait3A_268, %dma_wait3A_269] : memref<16384x3328xf32, #tpu.memory_space<hbm>> -> memref<128x128xf32, #tpu.memory_space<hbm>>
      tpu.wait_dma2 semaphore(%arg14 : memref<!tpu.dma_semaphore, #tpu.memory_space<semaphore_mem>>) src(%arg6 : memref<128x128xf32, #tpu.memory_space<vmem>>) dst(%dma_wait3A_270 : memref<128x128xf32, #tpu.memory_space<hbm>>)
      %add3A_271 = arith.constant 1 : i32
      %add3A_272 = arith.addi %scan3A_164, %add3A_271 : i32
      %add3A_273 = arith.addi %add3A_272, %rem3A_3 : i32
      %ge3A_274 = arith.constant 26 : i32
      %ge3A_275 = arith.cmpi sge, %add3A_273, %ge3A_274 : i32
      %sub3A_276 = arith.constant 26 : i32
      %sub3A_277 = arith.subi %add3A_273, %sub3A_276 : i32
      %select_n3A_278 = arith.select %ge3A_275, %sub3A_277, %add3A_273 : i32
      %sub3A_279 = arith.constant 25 : i32
      %sub3A_280 = arith.subi %sub3A_279, %select_n3A_278 : i32
      %mul3A_281 = arith.constant 128 : i32
      %mul3A_282 = arith.muli %sub3A_280, %mul3A_281 : i32
      %add3A_283 = arith.constant 256 : i32
      %add3A_284 = arith.addi %mul3A_2, %add3A_283 : i32
      %dma_start3A_285 = tpu.memref_slice %arg2[%add3A_284, %mul3A_282] : memref<16384x3328xf32, #tpu.memory_space<hbm>> -> memref<128x128xf32, #tpu.memory_space<hbm>>
      %dma_start3A_286 = tpu.memref_slice %arg2[%add3A_284, %mul3A_282] : memref<16384x3328xf32, #tpu.memory_space<hbm>> -> memref<128x128xf32, #tpu.memory_space<hbm>>
      tpu.enqueue_dma source(%dma_start3A_286 : memref<128x128xf32, #tpu.memory_space<hbm>>) target(%arg6 : memref<128x128xf32, #tpu.memory_space<vmem>>) target_semaphore(%arg10 : memref<!tpu.dma_semaphore, #tpu.memory_space<semaphore_mem>>)
      %add3A_287 = arith.constant 1 : i32
      %add3A_288 = arith.addi %scan3A_164, %add3A_287 : i32
      %dma_wait3A_289 = arith.constant 0 : i32
      %dma_wait3A_290 = arith.constant 0 : i32
      %dma_wait3A_291 = tpu.memref_slice %arg2[%dma_wait3A_289, %dma_wait3A_290] : memref<16384x3328xf32, #tpu.memory_space<hbm>> -> memref<128x128xf32, #tpu.memory_space<hbm>>
      %dma_wait3A_292 = arith.constant 0 : i32
      %dma_wait3A_293 = arith.constant 0 : i32
      %dma_wait3A_294 = tpu.memref_slice %arg2[%dma_wait3A_292, %dma_wait3A_293] : memref<16384x3328xf32, #tpu.memory_space<hbm>> -> memref<128x128xf32, #tpu.memory_space<hbm>>
      tpu.wait_dma2 semaphore(%arg9 : memref<!tpu.dma_semaphore, #tpu.memory_space<semaphore_mem>>) src(%dma_wait3A_294 : memref<128x128xf32, #tpu.memory_space<hbm>>) dst(%arg5 : memref<128x128xf32, #tpu.memory_space<vmem>>)
      %add3A_295 = arith.constant 128 : i32
      %add3A_296 = arith.addi %mul3A_2, %add3A_295 : i32
      %add3A_297 = arith.addi %add3A_288, %rem3A_3 : i32
      %ge3A_298 = arith.constant 26 : i32
      %ge3A_299 = arith.cmpi sge, %add3A_297, %ge3A_298 : i32
      %sub3A_300 = arith.constant 26 : i32
      %sub3A_301 = arith.subi %add3A_297, %sub3A_300 : i32
      %select_n3A_302 = arith.select %ge3A_299, %sub3A_301, %add3A_297 : i32
      %mul3A_303 = arith.constant 128 : i32
      %mul3A_304 = arith.muli %select_n3A_302, %mul3A_303 : i32
      %dma_start3A_305 = tpu.memref_slice %arg3[%add3A_296, %mul3A_304] : memref<16384x3328xf32, #tpu.memory_space<hbm>> -> memref<128x128xf32, #tpu.memory_space<hbm>>
      %dma_start3A_306 = tpu.memref_slice %arg3[%add3A_296, %mul3A_304] : memref<16384x3328xf32, #tpu.memory_space<hbm>> -> memref<128x128xf32, #tpu.memory_space<hbm>>
      tpu.enqueue_dma source(%arg5 : memref<128x128xf32, #tpu.memory_space<vmem>>) target(%dma_start3A_306 : memref<128x128xf32, #tpu.memory_space<hbm>>) target_semaphore(%arg13 : memref<!tpu.dma_semaphore, #tpu.memory_space<semaphore_mem>>)
      %dma_wait3A_307 = arith.constant 0 : i32
      %dma_wait3A_308 = arith.constant 0 : i32
      %dma_wait3A_309 = tpu.memref_slice %arg3[%dma_wait3A_307, %dma_wait3A_308] : memref<16384x3328xf32, #tpu.memory_space<hbm>> -> memref<128x128xf32, #tpu.memory_space<hbm>>
      %dma_wait3A_310 = arith.constant 0 : i32
      %dma_wait3A_311 = arith.constant 0 : i32
      %dma_wait3A_312 = tpu.memref_slice %arg3[%dma_wait3A_310, %dma_wait3A_311] : memref<16384x3328xf32, #tpu.memory_space<hbm>> -> memref<128x128xf32, #tpu.memory_space<hbm>>
      tpu.wait_dma2 semaphore(%arg15 : memref<!tpu.dma_semaphore, #tpu.memory_space<semaphore_mem>>) src(%arg7 : memref<128x128xf32, #tpu.memory_space<vmem>>) dst(%dma_wait3A_312 : memref<128x128xf32, #tpu.memory_space<hbm>>)
      %add3A_313 = arith.constant 1 : i32
      %add3A_314 = arith.addi %scan3A_164, %add3A_313 : i32
      %add3A_315 = arith.addi %add3A_314, %rem3A_3 : i32
      %ge3A_316 = arith.constant 26 : i32
      %ge3A_317 = arith.cmpi sge, %add3A_315, %ge3A_316 : i32
      %sub3A_318 = arith.constant 26 : i32
      %sub3A_319 = arith.subi %add3A_315, %sub3A_318 : i32
      %select_n3A_320 = arith.select %ge3A_317, %sub3A_319, %add3A_315 : i32
      %sub3A_321 = arith.constant 25 : i32
      %sub3A_322 = arith.subi %sub3A_321, %select_n3A_320 : i32
      %mul3A_323 = arith.constant 128 : i32
      %mul3A_324 = arith.muli %sub3A_322, %mul3A_323 : i32
      %add3A_325 = arith.constant 384 : i32
      %add3A_326 = arith.addi %mul3A_2, %add3A_325 : i32
      %dma_start3A_327 = tpu.memref_slice %arg2[%add3A_326, %mul3A_324] : memref<16384x3328xf32, #tpu.memory_space<hbm>> -> memref<128x128xf32, #tpu.memory_space<hbm>>
      %dma_start3A_328 = tpu.memref_slice %arg2[%add3A_326, %mul3A_324] : memref<16384x3328xf32, #tpu.memory_space<hbm>> -> memref<128x128xf32, #tpu.memory_space<hbm>>
      tpu.enqueue_dma source(%dma_start3A_328 : memref<128x128xf32, #tpu.memory_space<hbm>>) target(%arg7 : memref<128x128xf32, #tpu.memory_space<vmem>>) target_semaphore(%arg11 : memref<!tpu.dma_semaphore, #tpu.memory_space<semaphore_mem>>)
    }
    %scan3A_101 = arith.constant 25 : i32
    %dma_wait3A_102 = arith.constant 0 : i32
    %dma_wait3A_103 = arith.constant 0 : i32
    %dma_wait3A_104 = tpu.memref_slice %arg2[%dma_wait3A_102, %dma_wait3A_103] : memref<16384x3328xf32, #tpu.memory_space<hbm>> -> memref<128x128xf32, #tpu.memory_space<hbm>>
    %dma_wait3A_105 = arith.constant 0 : i32
    %dma_wait3A_106 = arith.constant 0 : i32
    %dma_wait3A_107 = tpu.memref_slice %arg2[%dma_wait3A_105, %dma_wait3A_106] : memref<16384x3328xf32, #tpu.memory_space<hbm>> -> memref<128x128xf32, #tpu.memory_space<hbm>>
    tpu.wait_dma2 semaphore(%arg10 : memref<!tpu.dma_semaphore, #tpu.memory_space<semaphore_mem>>) src(%dma_wait3A_107 : memref<128x128xf32, #tpu.memory_space<hbm>>) dst(%arg6 : memref<128x128xf32, #tpu.memory_space<vmem>>)
    %add3A_108 = arith.constant 256 : i32
    %add3A_109 = arith.addi %mul3A_2, %add3A_108 : i32
    %add3A_110 = arith.constant 25 : i32
    %add3A_111 = arith.addi %add3A_110, %rem3A_3 : i32
    %ge3A_112 = arith.constant 26 : i32
    %ge3A_113 = arith.cmpi sge, %add3A_111, %ge3A_112 : i32
    %sub3A_114 = arith.constant 26 : i32
    %sub3A_115 = arith.subi %add3A_111, %sub3A_114 : i32
    %select_n3A_116 = arith.select %ge3A_113, %sub3A_115, %add3A_111 : i32
    %mul3A_117 = arith.constant 128 : i32
    %mul3A_118 = arith.muli %select_n3A_116, %mul3A_117 : i32
    %dma_start3A_119 = tpu.memref_slice %arg3[%add3A_109, %mul3A_118] : memref<16384x3328xf32, #tpu.memory_space<hbm>> -> memref<128x128xf32, #tpu.memory_space<hbm>>
    %dma_start3A_120 = tpu.memref_slice %arg3[%add3A_109, %mul3A_118] : memref<16384x3328xf32, #tpu.memory_space<hbm>> -> memref<128x128xf32, #tpu.memory_space<hbm>>
    tpu.enqueue_dma source(%arg6 : memref<128x128xf32, #tpu.memory_space<vmem>>) target(%dma_start3A_120 : memref<128x128xf32, #tpu.memory_space<hbm>>) target_semaphore(%arg14 : memref<!tpu.dma_semaphore, #tpu.memory_space<semaphore_mem>>)
    %dma_wait3A_121 = arith.constant 0 : i32
    %dma_wait3A_122 = arith.constant 0 : i32
    %dma_wait3A_123 = tpu.memref_slice %arg2[%dma_wait3A_121, %dma_wait3A_122] : memref<16384x3328xf32, #tpu.memory_space<hbm>> -> memref<128x128xf32, #tpu.memory_space<hbm>>
    %dma_wait3A_124 = arith.constant 0 : i32
    %dma_wait3A_125 = arith.constant 0 : i32
    %dma_wait3A_126 = tpu.memref_slice %arg2[%dma_wait3A_124, %dma_wait3A_125] : memref<16384x3328xf32, #tpu.memory_space<hbm>> -> memref<128x128xf32, #tpu.memory_space<hbm>>
    tpu.wait_dma2 semaphore(%arg11 : memref<!tpu.dma_semaphore, #tpu.memory_space<semaphore_mem>>) src(%dma_wait3A_126 : memref<128x128xf32, #tpu.memory_space<hbm>>) dst(%arg7 : memref<128x128xf32, #tpu.memory_space<vmem>>)
    %add3A_127 = arith.constant 384 : i32
    %add3A_128 = arith.addi %mul3A_2, %add3A_127 : i32
    %add3A_129 = arith.constant 25 : i32
    %add3A_130 = arith.addi %add3A_129, %rem3A_3 : i32
    %ge3A_131 = arith.constant 26 : i32
    %ge3A_132 = arith.cmpi sge, %add3A_130, %ge3A_131 : i32
    %sub3A_133 = arith.constant 26 : i32
    %sub3A_134 = arith.subi %add3A_130, %sub3A_133 : i32
    %select_n3A_135 = arith.select %ge3A_132, %sub3A_134, %add3A_130 : i32
    %mul3A_136 = arith.constant 128 : i32
    %mul3A_137 = arith.muli %select_n3A_135, %mul3A_136 : i32
    %dma_start3A_138 = tpu.memref_slice %arg3[%add3A_128, %mul3A_137] : memref<16384x3328xf32, #tpu.memory_space<hbm>> -> memref<128x128xf32, #tpu.memory_space<hbm>>
    %dma_start3A_139 = tpu.memref_slice %arg3[%add3A_128, %mul3A_137] : memref<16384x3328xf32, #tpu.memory_space<hbm>> -> memref<128x128xf32, #tpu.memory_space<hbm>>
    tpu.enqueue_dma source(%arg7 : memref<128x128xf32, #tpu.memory_space<vmem>>) target(%dma_start3A_139 : memref<128x128xf32, #tpu.memory_space<hbm>>) target_semaphore(%arg15 : memref<!tpu.dma_semaphore, #tpu.memory_space<semaphore_mem>>)
    %dma_wait3A_140 = arith.constant 0 : i32
    %dma_wait3A_141 = arith.constant 0 : i32
    %dma_wait3A_142 = tpu.memref_slice %arg3[%dma_wait3A_140, %dma_wait3A_141] : memref<16384x3328xf32, #tpu.memory_space<hbm>> -> memref<128x128xf32, #tpu.memory_space<hbm>>
    %dma_wait3A_143 = arith.constant 0 : i32
    %dma_wait3A_144 = arith.constant 0 : i32
    %dma_wait3A_145 = tpu.memref_slice %arg3[%dma_wait3A_143, %dma_wait3A_144] : memref<16384x3328xf32, #tpu.memory_space<hbm>> -> memref<128x128xf32, #tpu.memory_space<hbm>>
    tpu.wait_dma2 semaphore(%arg12 : memref<!tpu.dma_semaphore, #tpu.memory_space<semaphore_mem>>) src(%arg4 : memref<128x128xf32, #tpu.memory_space<vmem>>) dst(%dma_wait3A_145 : memref<128x128xf32, #tpu.memory_space<hbm>>)
    %dma_wait3A_146 = arith.constant 0 : i32
    %dma_wait3A_147 = arith.constant 0 : i32
    %dma_wait3A_148 = tpu.memref_slice %arg3[%dma_wait3A_146, %dma_wait3A_147] : memref<16384x3328xf32, #tpu.memory_space<hbm>> -> memref<128x128xf32, #tpu.memory_space<hbm>>
    %dma_wait3A_149 = arith.constant 0 : i32
    %dma_wait3A_150 = arith.constant 0 : i32
    %dma_wait3A_151 = tpu.memref_slice %arg3[%dma_wait3A_149, %dma_wait3A_150] : memref<16384x3328xf32, #tpu.memory_space<hbm>> -> memref<128x128xf32, #tpu.memory_space<hbm>>
    tpu.wait_dma2 semaphore(%arg13 : memref<!tpu.dma_semaphore, #tpu.memory_space<semaphore_mem>>) src(%arg5 : memref<128x128xf32, #tpu.memory_space<vmem>>) dst(%dma_wait3A_151 : memref<128x128xf32, #tpu.memory_space<hbm>>)
    %dma_wait3A_152 = arith.constant 0 : i32
    %dma_wait3A_153 = arith.constant 0 : i32
    %dma_wait3A_154 = tpu.memref_slice %arg3[%dma_wait3A_152, %dma_wait3A_153] : memref<16384x3328xf32, #tpu.memory_space<hbm>> -> memref<128x128xf32, #tpu.memory_space<hbm>>
    %dma_wait3A_155 = arith.constant 0 : i32
    %dma_wait3A_156 = arith.constant 0 : i32
    %dma_wait3A_157 = tpu.memref_slice %arg3[%dma_wait3A_155, %dma_wait3A_156] : memref<16384x3328xf32, #tpu.memory_space<hbm>> -> memref<128x128xf32, #tpu.memory_space<hbm>>
    tpu.wait_dma2 semaphore(%arg14 : memref<!tpu.dma_semaphore, #tpu.memory_space<semaphore_mem>>) src(%arg6 : memref<128x128xf32, #tpu.memory_space<vmem>>) dst(%dma_wait3A_157 : memref<128x128xf32, #tpu.memory_space<hbm>>)
    %dma_wait3A_158 = arith.constant 0 : i32
    %dma_wait3A_159 = arith.constant 0 : i32
    %dma_wait3A_160 = tpu.memref_slice %arg3[%dma_wait3A_158, %dma_wait3A_159] : memref<16384x3328xf32, #tpu.memory_space<hbm>> -> memref<128x128xf32, #tpu.memory_space<hbm>>
    %dma_wait3A_161 = arith.constant 0 : i32
    %dma_wait3A_162 = arith.constant 0 : i32
    %dma_wait3A_163 = tpu.memref_slice %arg3[%dma_wait3A_161, %dma_wait3A_162] : memref<16384x3328xf32, #tpu.memory_space<hbm>> -> memref<128x128xf32, #tpu.memory_space<hbm>>
    tpu.wait_dma2 semaphore(%arg15 : memref<!tpu.dma_semaphore, #tpu.memory_space<semaphore_mem>>) src(%arg7 : memref<128x128xf32, #tpu.memory_space<vmem>>) dst(%dma_wait3A_163 : memref<128x128xf32, #tpu.memory_space<hbm>>)
    return
  }
}

</mosaic_0001>

<sc_bundles>
// kernel: kernel.3.cloned.1.call-start
scs
__scs_entry_jumppad:
0x0: {  	(pc) =	sbr.rel $0x88, $3  }
0x1: {  	(tag) =	ssettag $0x0;
	lr =	simm.s32 $0x1  }
0x2: {  	[smem:$0x3FA0] =	sst lr;
	_ =	strace $0xD0000000  }
0x3: {  	_ = 	snop  }
0x4: {  	_ = 	snop  }
0x5: {  	_ = 	snop  }
0x6: {  	_ = 	snop  }
0x7: {  	_ = 	snop  }
__scs_overlays_trampoline_lowered:
0x8: {  	[smem:$0x3FAF] =	sst s0  }
0x9: {  	[smem:$0x3FB0] =	sst s1  }
0xa: {  	[smem:$0x3FB1] =	sst s2  }
0xb: {  	[smem:$0x3FB2] =	sst s3  }
0xc: {  	[smem:$0x3FB3] =	sst s4  }
0xd: {  	[smem:$0x3FB4] =	sst s5  }
0xe: {  	[smem:$0x3FB5] =	sst s6  }
0xf: {  	[smem:$0x3FB6] =	sst s7  }
0x10: {  	[smem:$0x3FB7] =	sst s8  }
0x11: {  	[smem:$0x3FB8] =	sst s9;
	s0 =	simm.s32 @!p0 $0x0  }
0x12: {  	s1 =	sld [smem:$0x3F9E];
	s0 =	simm.s32 @p0 $0x1  }
0x13: {  	[smem:$0x3FB9] =	sst s0;
	s0 =	simm.s32 @!p1 $0x0  }
0x14: {  	s2 =	sld [smem:$0x3F9D];
	s0 =	simm.s32 @p1 $0x1  }
0x15: {  	[smem:$0x3FBA] =	sst s0;
	s0 =	simm.s32 @!p2 $0x0  }
0x16: {  	s3 =	sld [smem:$0x3FDB];
	s0 =	simm.s32 @p2 $0x1  }
0x17: {  	s4 =	simm.s32 $0x1BF5;
	[smem:$0x3FBC] =	sst s0  }
0x18: {  	s0 =	sld [smem:$0x3F9F];
	_ =	swait.ge [sflag:s4], $0x0  }
0x19: {  	s7 =	sld [smem:$0x3FA0]  }
0x1a: {  	s8 =	sadd.s32 $0xFFFFE003, lr  }
0x1b: {  	s9 =	sadd.s32 $0xFFFFFEF7, lr;
	s5 =	simm.s32 $0xFFFFFFFF;
	p2 =	slt.u32 s8, $0xFFFFF086  }
0x1c: {  	p1 =	slt.u32 s9, $0xF7A;
	s5 =	simm.s32 @!p2 $0x0  }
0x1d: {  	s5 =	simm.s32 @p1 $0x1;
	p0 =	seq.s32 s7, s2  }
0x1e: {  	s7 =	smul.u32 @!p0 $0xF7A, s2;
	p2 =	seq.s32 @!p0 s5, $0x0  }
0x1f: {  	s9 =	smul.u32 $0xF7A, s1;
	s8 =	simm.s32 @!p0 $0x1BF5;
	p2 =	por !p2, p0  }
0x20: {  	[sflag:s8] =	ssyncset.s32 @!p0 $0xFFFFF086;
	s6 =	sadd.s32 @!p0 s3, s7;
	s7 =	simm.s32 @!p0 $0x108  }
0x21: {  	s3 =	sadd.s32 s3, s9;
	s6 =	sadd.s32 @!p0 $0x88, s6;
	s7 =	simm.s32 @p2 $0x1082  }
0x22: {  	[simem:s7], [sflag:s8] =	dma.local @!p0 [hbm:s6], $0xF7A  }
0x23: {  	s9 =	sor.u32 $0xD0000000, s2;
	s6 =	simm.s32 $0x108;
	_ =	swait.ge @!p0 [sflag:s8], $0x0  }
0x24: {  	s3 =	sadd.s32 $0x88, s3;
	s6 =	simm.s32 @!p1 $0x1082;
	[sflag:s4] =	ssyncset.s32 $0xFFFFF086  }
0x25: {  	[simem:s6], [sflag:s4] =	dma.local [hbm:s3], $0xF7A  }
0x26: {  	[smem:$0x3FA0] =	sst s1;
	(tag) =	ssettag s2;
	_ =	strace s9  }
0x27: {  	s1 =	sld [smem:$0x3FB0]  }
0x28: {  	s2 =	sld [smem:$0x3FB1]  }
0x29: {  	s4 =	sld [smem:$0x3FB3]  }
0x2a: {  	p0 =	seq.s32 s5, $0x0;
	s5 =	sld [smem:$0x3FB4]  }
0x2b: {  	s6 =	sld [smem:$0x3FB5]  }
0x2c: {  	s7 =	sld [smem:$0x3FB6]  }
0x2d: {  	s3 =	simm.s32 $0x108;
	s8 =	sld [smem:$0x3FB7]  }
0x2e: {  	s3 =	simm.s32 @!p0 $0x1082;
	s9 =	sld [smem:$0x3FB8]  }
0x2f: {  	lr =	sadd.s32 s0, s3;
	s0 =	sld [smem:$0x3FAF]  }
0x30: {  	s3 =	sld [smem:$0x3FB2]  }
0x31: {  	[smem:$0x3FBB] =	sst s10  }
0x32: {  	s10 =	sld [smem:$0x3FB9];
	_ =	sdelay $0x3  }
0x33: {  	p0 =	seq.s32 s10, $0x1;
	s10 =	sld [smem:$0x3FBB];
	_ =	sdelay $0x3  }
0x34: {  	[smem:$0x3FBB] =	sst s10  }
0x35: {  	s10 =	sld [smem:$0x3FBA];
	_ =	sdelay $0x3  }
0x36: {  	p1 =	seq.s32 s10, $0x1;
	s10 =	sld [smem:$0x3FBB];
	_ =	sdelay $0x3  }
0x37: {  	[smem:$0x3FBB] =	sst s10  }
0x38: {  	s10 =	sld [smem:$0x3FBC]  }
0x39: {  	_ = 	snop;
	(pc) =	sbr.ind lr, $3  }
0x3a: {  	_ = 	snop  }
0x3b: {  	_ = 	snop  }
0x3c: {  	p2 =	seq.s32 s10, $0x1;
	s10 =	sld [smem:$0x3FBB]  }
0x3d: {  	_ =	shalt  }
0x3e: {  	_ =	shalt  }
0x3f: {  	_ =	shalt  }
0x40: {  	_ =	shalt  }
0x41: {  	_ =	shalt  }
0x42: {  	_ =	shalt  }
0x43: {  	_ =	shalt  }
0x44: {  	_ =	shalt  }
0x45: {  	_ =	shalt  }
0x46: {  	_ =	shalt  }
0x47: {  	_ =	shalt  }
0x48: {  	_ =	shalt  }
0x49: {  	_ =	shalt  }
0x4a: {  	_ =	shalt  }
0x4b: {  	_ =	shalt  }
0x4c: {  	_ =	shalt  }
0x4d: {  	_ =	shalt  }
0x4e: {  	_ =	shalt  }
0x4f: {  	_ =	shalt  }
0x50: {  	_ =	shalt  }
0x51: {  	_ =	shalt  }
0x52: {  	_ =	shalt  }
0x53: {  	_ =	shalt  }
0x54: {  	_ =	shalt  }
0x55: {  	_ =	shalt  }
0x56: {  	_ =	shalt  }
0x57: {  	_ =	shalt  }
0x58: {  	_ =	shalt  }
0x59: {  	_ =	shalt  }
0x5a: {  	_ =	shalt  }
0x5b: {  	_ =	shalt  }
0x5c: {  	_ =	shalt  }
0x5d: {  	_ =	shalt  }
0x5e: {  	_ =	shalt  }
0x5f: {  	_ =	shalt  }
0x60: {  	_ =	shalt  }
0x61: {  	_ =	shalt  }
0x62: {  	_ =	shalt  }
0x63: {  	_ =	shalt  }
0x64: {  	_ =	shalt  }
0x65: {  	_ =	shalt  }
0x66: {  	_ =	shalt  }
0x67: {  	_ =	shalt  }
0x68: {  	_ =	shalt  }
0x69: {  	_ =	shalt  }
0x6a: {  	_ =	shalt  }
0x6b: {  	_ =	shalt  }
0x6c: {  	_ =	shalt  }
0x6d: {  	_ =	shalt  }
0x6e: {  	_ =	shalt  }
0x6f: {  	_ =	shalt  }
0x70: {  	_ =	shalt  }
0x71: {  	_ =	shalt  }
0x72: {  	_ =	shalt  }
0x73: {  	_ =	shalt  }
0x74: {  	_ =	shalt  }
0x75: {  	_ =	shalt  }
0x76: {  	_ =	shalt  }
0x77: {  	_ =	shalt  }
0x78: {  	_ =	shalt  }
0x79: {  	_ =	shalt  }
0x7a: {  	_ =	shalt  }
0x7b: {  	_ =	shalt  }
0x7c: {  	_ =	shalt  }
0x7d: {  	_ =	shalt  }
0x7e: {  	_ =	shalt  }
0x7f: {  	_ =	shalt  }
0x80: {  	_ =	shalt  }
0x81: {  	_ =	shalt  }
0x82: {  	_ =	shalt  }
0x83: {  	_ =	shalt  }
0x84: {  	_ =	shalt  }
0x85: {  	_ =	shalt  }
0x86: {  	_ =	shalt  }
0x87: {  	_ =	shalt  }
.Lfunc_end0:
.L_simem_size_0:
called_computation_lowered:
.L_overlay_start_0:
0x88: {  	s2 =	sld [smem:$0x3FD9]  }
0x89: {  	s3 =	sld [smem:$0x3FFE];
	_ =	sdelay $0x1  }
0x8a: {  	s1 =	srdreg.scid  }
0x8b: {  	s0 =	sand.u32 $0x1, s1  }
0x8c: {  	s18 =	sshll.u32 s0, $0xA;
	s2 =	sadd.s32 s3, s2  }
0x8d: {  	s2 =	sadd.s32 s2, s18  }
0x8e: {  	[smem:$0x3FC7] =	sst s2  }
0x8f: {  	_ = 	snop  }
0x90: {  	s2 =	sld [smem:$0x3FC9]  }
0x91: {  	s19 =	sld [smem:$0x3FD0];
	(tm) =	ssettm $0x1  }
0x92: {  	s4 =	sld [smem:$0x3FFB];
	_ =	sdelay $0x3  }
0x93: {  	_ =	strace s4  }
0x94: {  	s4 =	sld [smem:$0x3FFC];
	_ =	sdelay $0x3  }
0x95: {  	_ =	strace s4  }
0x96: {  	s4 =	sld [smem:$0x3FFD];
	_ =	sdelay $0x3  }
0x97: {  	_ =	strace s4  }
0x98: {  	_ =	strace $0x8FFFFFFF  }
0x99: {  	s20 =	sld [smem:$0x3FDB];
	_ =	sdelay $0x1  }
0x9a: {  	s5 =	simm.s32 $_scs_section_size  }
0x9b: {  	s6 =	simm.s32 $_size__tile_overlayer_lowered;
	s7 =	simm.s32 $_tile_overlayer_lowered  }
0x9c: {  	s23 =	simm.s32 $0x1BFF;
	s22 =	sshll.u32 s7, $0x1;
	s4 =	sadd.s32 s5, s20  }
0x9d: {  	s8 =	simm.s32 $0x0;
	s21 =	sshll.u32 s6, $0x1;
	s6 =	sadd.s32 s22, s4  }
0x9e: {  	[timem:s8], [sflag:s23] =	dma.local [hbm:s6], s21  }
0x9f: {  	_ =	swait.ge [sflag:s23], s21  }
0xa0: {  	s5 =	ssub.s32 $0x0, s21;
	[sflag:s23] =	ssyncset.done $0x0  }
0xa1: {  	[sflag:s23] =	ssyncadd.s32 s5;
	_ =	sdelay $0x1  }
0xa2: {  	s24 =	simm.s32 $0x1B8B  }
0xa3: {  	_ =	swait.ge [sflag:s24], $0x1  }
0xa4: {  	[sflag:s24] =	ssyncset.done $0x0  }
0xa5: {  	s25 =	simm.s32 $0x1B8E;
	[sflag:s24] =	ssyncadd.s32 $0xFFFFFFFF  }
0xa6: {  	s26 =	simm.s32 $execute0_lowered;
	[smem:$0x3FD2] =	sst s25  }
0xa7: {  	s5 =	sshll.u32 s26, $0x1;
	_ =	strace $0x80000046;
	[dreg:$0x1] =	wrdreg $0xFFFFFFFF  }
0xa8: {  	s28 =	simm.s32 $_size_execute0_lowered;
	s4 =	sadd.s32 s4, s5;
	[dreg:$0x0] =	wrdreg $0x0  }
0xa9: {  	s5 =	sshll.u32 s28, $0x1;
	[dreg:$0x2] =	wrdreg s4  }
0xaa: {  	[dreg:$0x3] =	wrdreg s5  }
0xab: {  	[dreg:$0x4] =	wrdreg $0xC0  }
0xac: {  	_ =	task [dreg:s8], $0x5FFFF  }
0xad: {  	[dreg:$0x1] =	wrdreg $0xFFFFFFFF  }
0xae: {  	[dreg:$0x0] =	wrdreg $0x60  }
0xaf: {  	[dreg:$0x2] =	wrdreg s2  }
0xb0: {  	[dreg:$0x3] =	wrdreg s19  }
0xb1: {  	[dreg:$0x4] =	wrdreg $0x9  }
0xb2: {  	_ =	task.clear_ibuf [dreg:s8], $0x5FFFF;
	_ =	strace $0x90000046  }
0xb3: {  	s29 =	simm.s32 $0x9;
	_ =	strace $0x80000048  }
0xb4: {  	_ =	swait.ge [sflag:s29], $0x1  }
0xb5: {  	[sflag:s29] =	ssyncadd.s32 $0xFFFFFFFF  }
0xb6: {  	_ =	strace $0x90000048  }
0xb7: {  	_ =	sfence  }
0xb8: {  	s30 =	sld [smem:$0x0];
	_ =	sdelay $0x2  }
0xb9: {  	s31 =	sshll.u32 s1, $0xD;
	s1 =	sshrl.u32 s1, $0x2  }
0xba: {  	s3 =	sand.u32 $0x4000, s31;
	s1 =	sadd.s32 s1, s30  }
0xbb: {  	s0 =	sor.u32 s3, s0;
	s1 =	sshll.u32 s1, $0x11  }
0xbc: {  	s0 =	sor.u32 s1, s0  }
0xbd: {  	s0 =	sadd.s32 $0x8F2B, s0  }
0xbe: {  	[sflag:s0] =	ssyncadd.remote.s32 $0x1  }
0xbf: {  	_ =	sfence.sel $0xFFFF  }
0xc0: {  	[dreg:$0x0] =	wrdreg $0xFFFFFFFF;
	(pc) =	sbr.abs _section_cstart, $3  }
0xc1: {  	[dreg:$0x1] =	wrdreg $0xFFFFFFFF  }
0xc2: {  	_ =	task.clear_ibuf [dreg:s8], $0x2FFFF;
	_ =	strace $0x9FFFFFFF  }
0xc3: {  	(tm) =	ssettm $0x7FFFFFFF  }
tec
execute0_lowered:
.L_overlay_start_1:
0x0: {  	(tag) =	ssettag $0x1  }
0x1: {  	s2 =	rddreg [dreg:$0x0];
	s0 =	srdreg.scid  }
0x2: {  	s1 =	stileid.u32;
	s3 =	rddreg [dreg:$0x1]  }
0x3: {  	s4 =	simm.s32 $0x0;
	s26 =	simm.s32 $0xFFFF9C00;
	s28 =	simm.s32 $0x3  }
0x4: {  	s29 =	simm.s32 $0x5;
	s30 =	simm.s32 $0x4;
	s31 =	simm.s32 $0x6  }
0x5: {  	s0 =	sand.u32 $0x1, s0;
	s1 =	sshll.u32 s1, $0x1;
	[smem:$0x7FF] =	sst s4  }
0x6: {  	s5 =	sor.u32 s0, s1;
	p0 =	slt.u32 s1, $0x1A;
	s0 =	ssub.s32 $0x2, s0  }
0x7: {  	_ =	strace $0x80000047;
	[dreg:$0x3] =	wrdreg s26;
	s8 =	sadd.s32 $0xFFFFFFE6, s5  }
0x8: {  	s26 =	simm.s32 $0xC000;
	s16 =	sshrl.u32 s0, $0x1;
	s8 =	smov.u32 @p0 s5  }
0x9: {  	s5 =	smul.u32 $0x1A0000, s5;
	s0 =	ssub.s32 s0, s16;
	s6 =	sshll.u32 s8, $0xA  }
0xa: {  	p0 =	seq.s32 s8, $0x0;
	s0 =	smax.u32 s0, $0x1;
	s25 =	sadd.s32 $0x1, s8  }
0xb: {  	s9 =	ssub.s32 $0x6400, s6;
	s7 =	sadd.s32 $0x68000, s5;
	[dreg:$0xc] =	wrdreg s0  }
0xc: {  	s11 =	sor.u32 s5, s6;
	s14 =	sadd.s32 $0x138000, s5;
	[dreg:$0xd] =	wrdreg s25  }
0xd: {  	s25 =	simm.s32 $0x2;
	s0 =	simm.s32 $0x8;
	s17 =	sor.u32 s5, s9  }
0xe: {  	s10 =	sor.u32 s7, s9;
	s19 =	sshrl.u32 s11, $0x3;
	s11 =	sadd.s32 $0xD0000, s5  }
0xf: {  	s12 =	sor.u32 s6, s7;
	s1 =	sshrl.u32 s17, $0x3;
	s18 =	sshrl.u32 s10, $0x3  }
0x10: {  	s20 =	sadd.s32 s3, s19;
	s21 =	sor.u32 s11, s9;
	s10 =	simm.s32 $0x19  }
0x11: {  	s22 =	sshrl.u32 s12, $0x3;
	s9 =	sor.u32 s14, s9;
	s1 =	sadd.s32 s2, s1  }
0x12: {  	[dreg:$0x6] =	wrdreg s20;
	s10 =	simm.s32 @!p0 $0x3FFFFF;
	s9 =	sshrl.u32 s9, $0x3  }
0x13: {  	s20 =	simm.s32 $0x400;
	[dreg:$0x4] =	wrdreg s1;
	s1 =	sadd.s32 s2, s18  }
0x14: {  	s10 =	sadd.s32 s8, s10;
	s9 =	sadd.s32 s2, s9;
	[dreg:$0x5] =	wrdreg s1  }
0x15: {  	s1 =	sshrl.u32 s21, $0x3;
	s23 =	sshll.u32 s10, $0xA;
	[dreg:$0x9] =	wrdreg s9  }
0x16: {  	s21 =	simm.s32 $0x6800;
	s9 =	simm.s32 $0x0;
	s1 =	sadd.s32 s2, s1  }
0x17: {  	s10 =	sadd.s32 s11, s23;
	[dreg:$0x7] =	wrdreg s1;
	s1 =	sadd.s32 s3, s22  }
0x18: {  	s10 =	sshrl.u32 s10, $0x3;
	[dreg:$0x8] =	wrdreg s1;
	s1 =	sadd.s32 s14, s23  }
0x19: {  	s22 =	simm.s32 $0x4000;
	s24 =	sadd.s32 s3, s10;
	s1 =	sshrl.u32 s1, $0x3  }
0x1a: {  	s23 =	simm.s32 $0x1;
	[dreg:$0xa] =	wrdreg s24;
	s1 =	sadd.s32 s3, s1  }
0x1b: {  	s24 =	simm.s32 $0x8000;
	[dreg:$0xb] =	wrdreg s1;
	s1 =	simm.s32 $0x7  }
.LBB2_1:
0x1c: {  	[dreg:$0xe] =	wrdreg s9  }
0x1d: {  	s8 =	rddreg [dreg:$0x4]  }
0x1e: {  	[tilespmem:s4], [sflag:$0x1] =	stream.strided.gather [hbm4b:s8+s20], $0x4000, s21, s20, $0x38;
	[tilespmem:$0x10000] =	vst v63  }
0x1f: {  	s12 =	rddreg [dreg:$0x5]  }
0x20: {  	[tilespmem:s22], [sflag:$0x2] =	stream.strided.gather [hbm4b:s12+s20], $0x4000, s21, s20, $0x38;
	[tilespmem:$0x10000] =	vst v63  }
0x21: {  	_ =	swait.ge [sflag:s23], $0x4000  }
0x22: {  	[sflag:s23] =	ssyncset.done $0x0  }
0x23: {  	s13 =	rddreg [dreg:$0x6];
	[sflag:s23] =	ssyncadd.s32 $0xFFFFC000  }
0x24: {  	[hbm4b:s13+s20] =	stream.strided.scatter [tilespmem:s4], [sflag:$0x5], $0x4000, s21, s20, $0x38;
	[tilespmem:$0x10000] =	vst v63  }
0x25: {  	s15 =	rddreg [dreg:$0x7]  }
0x26: {  	[tilespmem:s24], [sflag:$0x3] =	stream.strided.gather [hbm4b:s15+s20], $0x4000, s21, s20, $0x38;
	[tilespmem:$0x10000] =	vst v63  }
0x27: {  	_ =	swait.ge [sflag:s25], $0x4000  }
0x28: {  	s18 =	sadd.s32 $0x0, s6;
	[sflag:s25] =	ssyncset.done $0x0;
	s8 =	rddreg [dreg:$0xd]  }
0x29: {  	s16 =	rddreg [dreg:$0x8];
	[sflag:s25] =	ssyncadd.s32 $0xFFFFC000;
	s10 =	sadd.s32 $0xFFFFFFFF, s8  }
0x2a: {  	[hbm4b:s16+s20] =	stream.strided.scatter [tilespmem:s22], [sflag:$0x6], $0x4000, s21, s20, $0x38;
	[tilespmem:$0x10000] =	vst v63  }
0x2b: {  	s12 =	smov.u32 s18;
	p0 =	sgt.u32 s10, $0x19;
	s10 =	sadd.s32 $0xFFFF9800, s18  }
0x2c: {  	s17 =	rddreg [dreg:$0x9];
	s12 =	smov.u32 @p0 s10  }
0x2d: {  	[tilespmem:s26], [sflag:$0x4] =	stream.strided.gather [hbm4b:s17+s20], $0x4000, s21, s20, $0x38;
	[tilespmem:$0x10000] =	vst v63  }
0x2e: {  	s10 =	sadd.s32 s11, s12;
	_ =	swait.ge [sflag:s28], $0x4000  }
0x2f: {  	s10 =	sshrl.u32 s10, $0x3;
	[sflag:s28] =	ssyncset.done $0x0  }
0x30: {  	s10 =	sadd.s32 s3, s10;
	[sflag:s28] =	ssyncadd.s32 $0xFFFFC000  }
0x31: {  	[hbm4b:s10+s20] =	stream.strided.scatter [tilespmem:s24], [sflag:$0x7], $0x4000, s21, s20, $0x38;
	[tilespmem:$0x10000] =	vst v63  }
0x32: {  	_ =	swait.ge [sflag:s29], $0x4000  }
0x33: {  	p0 =	sgt.u32 s8, $0x19;
	s10 =	rddreg [dreg:$0x3]  }
0x34: {  	s10 =	simm.s32 @!p0 $0x400  }
0x35: {  	s9 =	sadd.s32 s10, s18  }
0x36: {  	s13 =	ssub.s32 $0x6400, s9  }
0x37: {  	s19 =	sadd.s32 s5, s13  }
0x38: {  	[sflag:s29] =	ssyncset.done $0x0;
	s10 =	sshrl.u32 s19, $0x3  }
0x39: {  	[sflag:s29] =	ssyncadd.s32 $0xFFFFC000;
	s10 =	sadd.s32 s2, s10  }
0x3a: {  	[tilespmem:s4], [sflag:$0x1] =	stream.strided.gather [hbm4b:s10+s20], $0x4000, s21, s20, $0x38;
	[tilespmem:$0x10000] =	vst v63  }
0x3b: {  	s15 =	sadd.s32 s14, s12;
	_ =	swait.ge [sflag:s30], $0x4000  }
0x3c: {  	s10 =	sshrl.u32 s15, $0x3;
	[sflag:s30] =	ssyncset.done $0x0  }
0x3d: {  	s10 =	sadd.s32 s3, s10;
	[sflag:s30] =	ssyncadd.s32 $0xFFFFC000  }
0x3e: {  	[hbm4b:s10+s20] =	stream.strided.scatter [tilespmem:s26], [sflag:$0x8], $0x4000, s21, s20, $0x38;
	[tilespmem:$0x10000] =	vst v63  }
0x3f: {  	s16 =	sadd.s32 s7, s13;
	_ =	swait.ge [sflag:s31], $0x4000  }
0x40: {  	s10 =	sshrl.u32 s16, $0x3;
	[sflag:s31] =	ssyncset.done $0x0  }
0x41: {  	s10 =	sadd.s32 s2, s10;
	[sflag:s31] =	ssyncadd.s32 $0xFFFFC000  }
0x42: {  	[tilespmem:s22], [sflag:$0x2] =	stream.strided.gather [hbm4b:s10+s20], $0x4000, s21, s20, $0x38;
	[tilespmem:$0x10000] =	vst v63  }
0x43: {  	s17 =	sadd.s32 s5, s9;
	_ =	swait.ge [sflag:s23], $0x4000  }
0x44: {  	s10 =	sshrl.u32 s17, $0x3;
	[sflag:s23] =	ssyncset.done $0x0  }
0x45: {  	s10 =	sadd.s32 s3, s10;
	[sflag:s23] =	ssyncadd.s32 $0xFFFFC000  }
0x46: {  	[hbm4b:s10+s20] =	stream.strided.scatter [tilespmem:s4], [sflag:$0x5], $0x4000, s21, s20, $0x38;
	[tilespmem:$0x10000] =	vst v63  }
0x47: {  	s18 =	sadd.s32 s11, s13;
	_ =	swait.ge [sflag:s1], $0x4000  }
0x48: {  	s10 =	sshrl.u32 s18, $0x3;
	[sflag:s1] =	ssyncset.done $0x0  }
0x49: {  	s10 =	sadd.s32 s2, s10;
	[sflag:s1] =	ssyncadd.s32 $0xFFFFC000  }
0x4a: {  	[tilespmem:s24], [sflag:$0x3] =	stream.strided.gather [hbm4b:s10+s20], $0x4000, s21, s20, $0x38;
	[tilespmem:$0x10000] =	vst v63  }
0x4b: {  	s9 =	sadd.s32 s7, s9;
	_ =	swait.ge [sflag:s25], $0x4000  }
0x4c: {  	s9 =	sshrl.u32 s9, $0x3;
	[sflag:s25] =	ssyncset.done $0x0  }
0x4d: {  	s9 =	sadd.s32 s3, s9;
	s19 =	sadd.s32 s14, s13;
	[sflag:s25] =	ssyncadd.s32 $0xFFFFC000  }
0x4e: {  	[hbm4b:s9+s20] =	stream.strided.scatter [tilespmem:s22], [sflag:$0x6], $0x4000, s21, s20, $0x38;
	[tilespmem:$0x10000] =	vst v63  }
0x4f: {  	s15 =	sshrl.u32 s19, $0x3;
	s9 =	sadd.s32 $0x1, s8  }
0x50: {  	s18 =	sadd.s32 $0x400, s6;
	s10 =	simm.s32 $0x800;
	s12 =	sadd.s32 $0xFFFFFFFF, s9  }
.LBB2_2:
0x51: {  	p0 =	sgt.u32 s12, $0x19;
	_ =	swait.ge [sflag:s0], $0x4000  }
0x52: {  	s17 =	sadd.s32 $0xFFFF9800, s18;
	s13 =	smov.u32 s18;
	[sflag:s0] =	ssyncset.done $0x0  }
0x53: {  	s15 =	sadd.s32 s2, s15;
	s13 =	smov.u32 @p0 s17;
	[sflag:s0] =	ssyncadd.s32 $0xFFFFC000  }
0x54: {  	[tilespmem:s26], [sflag:$0x4] =	stream.strided.gather [hbm4b:s15+s20], $0x4000, s21, s20, $0x38;
	[tilespmem:$0x10000] =	vst v63  }
0x55: {  	s17 =	sadd.s32 s11, s13;
	_ =	swait.ge [sflag:s28], $0x4000  }
0x56: {  	s17 =	sshrl.u32 s17, $0x3;
	[sflag:s28] =	ssyncset.done $0x0  }
0x57: {  	s17 =	sadd.s32 s3, s17;
	[sflag:s28] =	ssyncadd.s32 $0xFFFFC000  }
0x58: {  	[hbm4b:s17+s20] =	stream.strided.scatter [tilespmem:s24], [sflag:$0x7], $0x4000, s21, s20, $0x38;
	[tilespmem:$0x10000] =	vst v63  }
0x59: {  	s12 =	smov.u32 s10;
	s16 =	sadd.s32 $0x400, s10;
	_ =	swait.ge [sflag:s29], $0x4000  }
0x5a: {  	p1 =	sgt.u32 s9, $0x19;
	p0 =	sne.s32 s10, $0x6000;
	s10 =	rddreg [dreg:$0x3]  }
0x5b: {  	s10 =	simm.s32 @!p1 $0x400  }
0x5c: {  	s10 =	sadd.s32 s10, s18  }
0x5d: {  	s15 =	ssub.s32 $0x6400, s10  }
0x5e: {  	s18 =	sadd.s32 s5, s10;
	s8 =	sadd.s32 s5, s15  }
0x5f: {  	[sflag:s29] =	ssyncset.done $0x0;
	s17 =	sshrl.u32 s18, $0x3;
	s18 =	sshrl.u32 s8, $0x3  }
0x60: {  	[sflag:s29] =	ssyncadd.s32 $0xFFFFC000;
	s18 =	sadd.s32 s2, s18  }
0x61: {  	[tilespmem:s4], [sflag:$0x1] =	stream.strided.gather [hbm4b:s18+s20], $0x4000, s21, s20, $0x38;
	[tilespmem:$0x10000] =	vst v63  }
0x62: {  	s13 =	sadd.s32 s14, s13;
	_ =	swait.ge [sflag:s30], $0x4000  }
0x63: {  	s13 =	sshrl.u32 s13, $0x3;
	[sflag:s30] =	ssyncset.done $0x0  }
0x64: {  	s13 =	sadd.s32 s3, s13;
	[sflag:s30] =	ssyncadd.s32 $0xFFFFC000  }
0x65: {  	[hbm4b:s13+s20] =	stream.strided.scatter [tilespmem:s26], [sflag:$0x8], $0x4000, s21, s20, $0x38;
	[tilespmem:$0x10000] =	vst v63  }
0x66: {  	s19 =	sadd.s32 s7, s15;
	_ =	swait.ge [sflag:s31], $0x4000  }
0x67: {  	s19 =	sshrl.u32 s19, $0x3;
	[sflag:s31] =	ssyncset.done $0x0  }
0x68: {  	s19 =	sadd.s32 s2, s19;
	[sflag:s31] =	ssyncadd.s32 $0xFFFFC000  }
0x69: {  	[tilespmem:s22], [sflag:$0x2] =	stream.strided.gather [hbm4b:s19+s20], $0x4000, s21, s20, $0x38;
	[tilespmem:$0x10000] =	vst v63  }
0x6a: {  	_ =	swait.ge [sflag:s23], $0x4000  }
0x6b: {  	[sflag:s23] =	ssyncset.done $0x0  }
0x6c: {  	s18 =	sadd.s32 s3, s17;
	[sflag:s23] =	ssyncadd.s32 $0xFFFFC000  }
0x6d: {  	[hbm4b:s18+s20] =	stream.strided.scatter [tilespmem:s4], [sflag:$0x5], $0x4000, s21, s20, $0x38;
	[tilespmem:$0x10000] =	vst v63  }
0x6e: {  	s8 =	sadd.s32 s11, s15;
	_ =	swait.ge [sflag:s1], $0x4000  }
0x6f: {  	s8 =	sshrl.u32 s8, $0x3;
	[sflag:s1] =	ssyncset.done $0x0  }
0x70: {  	s9 =	sadd.s32 $0x1, s9;
	s8 =	sadd.s32 s2, s8;
	[sflag:s1] =	ssyncadd.s32 $0xFFFFC000  }
0x71: {  	[tilespmem:s24], [sflag:$0x3] =	stream.strided.gather [hbm4b:s8+s20], $0x4000, s21, s20, $0x38;
	[tilespmem:$0x10000] =	vst v63  }
.Ltmp0:
0x72: {  	s10 =	sadd.s32 s7, s10;
	s15 =	sadd.s32 s14, s15;
	(pc) =	sbr.rel @p0 .LBB2_2-.Ltmp0, $4  }
0x73: {  	s10 =	sshrl.u32 s10, $0x3;
	s15 =	sshrl.u32 s15, $0x3;
	_ =	swait.ge [sflag:s25], $0x4000  }
0x74: {  	s19 =	sadd.s32 s3, s10;
	s10 =	smov.u32 s16;
	[sflag:s25] =	ssyncset.done $0x0  }
0x75: {  	s18 =	sadd.s32 s12, s6;
	s12 =	sadd.s32 $0xFFFFFFFF, s9;
	[sflag:s25] =	ssyncadd.s32 $0xFFFFC000  }
0x76: {  	[hbm4b:s19+s20] =	stream.strided.scatter [tilespmem:s22], [sflag:$0x6], $0x4000, s21, s20, $0x38;
	[tilespmem:$0x10000] =	vst v63  }
0x77: {  	_ =	swait.ge [sflag:s0], $0x4000;
	p0 =	sgt.u32 s12, $0x19  }
0x78: {  	s8 =	sadd.s32 $0xFFFF9800, s18;
	s10 =	smov.u32 s18;
	[sflag:s0] =	ssyncset.done $0x0  }
0x79: {  	s15 =	sadd.s32 s2, s15;
	s10 =	smov.u32 @p0 s8;
	[sflag:s0] =	ssyncadd.s32 $0xFFFFC000  }
0x7a: {  	[tilespmem:s26], [sflag:$0x4] =	stream.strided.gather [hbm4b:s15+s20], $0x4000, s21, s20, $0x38;
	[tilespmem:$0x10000] =	vst v63  }
0x7b: {  	s16 =	sadd.s32 s11, s10;
	_ =	swait.ge [sflag:s28], $0x4000  }
0x7c: {  	s8 =	sshrl.u32 s16, $0x3;
	[sflag:s28] =	ssyncset.done $0x0  }
0x7d: {  	s8 =	sadd.s32 s3, s8;
	[sflag:s28] =	ssyncadd.s32 $0xFFFFC000  }
0x7e: {  	[hbm4b:s8+s20] =	stream.strided.scatter [tilespmem:s24], [sflag:$0x7], $0x4000, s21, s20, $0x38;
	[tilespmem:$0x10000] =	vst v63  }
0x7f: {  	_ =	swait.ge [sflag:s29], $0x4000  }
0x80: {  	p0 =	sgt.u32 s9, $0x19;
	s8 =	rddreg [dreg:$0x3]  }
0x81: {  	s8 =	simm.s32 @!p0 $0x400  }
0x82: {  	s8 =	sadd.s32 s8, s18  }
0x83: {  	s17 =	ssub.s32 $0x6400, s8  }
0x84: {  	s18 =	sadd.s32 s5, s17  }
0x85: {  	[sflag:s29] =	ssyncset.done $0x0;
	s12 =	sshrl.u32 s18, $0x3  }
0x86: {  	[sflag:s29] =	ssyncadd.s32 $0xFFFFC000;
	s12 =	sadd.s32 s2, s12  }
0x87: {  	[tilespmem:s4], [sflag:$0x1] =	stream.strided.gather [hbm4b:s12+s20], $0x4000, s21, s20, $0x38;
	[tilespmem:$0x10000] =	vst v63  }
0x88: {  	s10 =	sadd.s32 s14, s10;
	_ =	swait.ge [sflag:s30], $0x4000  }
0x89: {  	s10 =	sshrl.u32 s10, $0x3;
	[sflag:s30] =	ssyncset.done $0x0  }
0x8a: {  	s10 =	sadd.s32 s3, s10;
	[sflag:s30] =	ssyncadd.s32 $0xFFFFC000  }
0x8b: {  	[hbm4b:s10+s20] =	stream.strided.scatter [tilespmem:s26], [sflag:$0x8], $0x4000, s21, s20, $0x38;
	[tilespmem:$0x10000] =	vst v63  }
0x8c: {  	s19 =	sadd.s32 s7, s17;
	_ =	swait.ge [sflag:s31], $0x4000  }
0x8d: {  	s10 =	sshrl.u32 s19, $0x3;
	[sflag:s31] =	ssyncset.done $0x0  }
0x8e: {  	s10 =	sadd.s32 s2, s10;
	[sflag:s31] =	ssyncadd.s32 $0xFFFFC000  }
0x8f: {  	[tilespmem:s22], [sflag:$0x2] =	stream.strided.gather [hbm4b:s10+s20], $0x4000, s21, s20, $0x38;
	[tilespmem:$0x10000] =	vst v63  }
0x90: {  	s12 =	sadd.s32 s5, s8;
	_ =	swait.ge [sflag:s23], $0x4000  }
0x91: {  	s10 =	sshrl.u32 s12, $0x3;
	[sflag:s23] =	ssyncset.done $0x0  }
0x92: {  	s10 =	sadd.s32 s3, s10;
	[sflag:s23] =	ssyncadd.s32 $0xFFFFC000  }
0x93: {  	[hbm4b:s10+s20] =	stream.strided.scatter [tilespmem:s4], [sflag:$0x5], $0x4000, s21, s20, $0x38;
	[tilespmem:$0x10000] =	vst v63  }
0x94: {  	s13 =	sadd.s32 s11, s17;
	_ =	swait.ge [sflag:s1], $0x4000  }
0x95: {  	s10 =	sshrl.u32 s13, $0x3;
	[sflag:s1] =	ssyncset.done $0x0  }
0x96: {  	s10 =	sadd.s32 s2, s10;
	[sflag:s1] =	ssyncadd.s32 $0xFFFFC000  }
0x97: {  	[tilespmem:s24], [sflag:$0x3] =	stream.strided.gather [hbm4b:s10+s20], $0x4000, s21, s20, $0x38;
	[tilespmem:$0x10000] =	vst v63  }
0x98: {  	s8 =	sadd.s32 s7, s8;
	_ =	swait.ge [sflag:s25], $0x4000  }
0x99: {  	s8 =	sshrl.u32 s8, $0x3;
	[sflag:s25] =	ssyncset.done $0x0  }
0x9a: {  	s8 =	sadd.s32 s3, s8;
	[sflag:s25] =	ssyncadd.s32 $0xFFFFC000  }
0x9b: {  	[hbm4b:s8+s20] =	stream.strided.scatter [tilespmem:s22], [sflag:$0x6], $0x4000, s21, s20, $0x38;
	[tilespmem:$0x10000] =	vst v63  }
0x9c: {  	s15 =	sadd.s32 s14, s17;
	_ =	swait.ge [sflag:s0], $0x4000  }
0x9d: {  	s8 =	sshrl.u32 s15, $0x3;
	[sflag:s0] =	ssyncset.done $0x0  }
0x9e: {  	s8 =	sadd.s32 s2, s8;
	[sflag:s0] =	ssyncadd.s32 $0xFFFFC000  }
0x9f: {  	[tilespmem:s26], [sflag:$0x4] =	stream.strided.gather [hbm4b:s8+s20], $0x4000, s21, s20, $0x38;
	[tilespmem:$0x10000] =	vst v63  }
0xa0: {  	_ =	swait.ge [sflag:s28], $0x4000  }
0xa1: {  	[sflag:s28] =	ssyncset.done $0x0  }
0xa2: {  	s16 =	rddreg [dreg:$0xa];
	[sflag:s28] =	ssyncadd.s32 $0xFFFFC000  }
0xa3: {  	[hbm4b:s16+s20] =	stream.strided.scatter [tilespmem:s24], [sflag:$0x7], $0x4000, s21, s20, $0x38;
	[tilespmem:$0x10000] =	vst v63  }
0xa4: {  	_ =	swait.ge [sflag:s30], $0x4000  }
0xa5: {  	[sflag:s30] =	ssyncset.done $0x0  }
0xa6: {  	s17 =	rddreg [dreg:$0xb];
	[sflag:s30] =	ssyncadd.s32 $0xFFFFC000  }
0xa7: {  	[hbm4b:s17+s20] =	stream.strided.scatter [tilespmem:s26], [sflag:$0x8], $0x4000, s21, s20, $0x38;
	[tilespmem:$0x10000] =	vst v63  }
0xa8: {  	_ =	swait.ge [sflag:s29], $0x4000  }
0xa9: {  	[sflag:s29] =	ssyncset.done $0x0  }
0xaa: {  	[sflag:s29] =	ssyncadd.s32 $0xFFFFC000  }
0xab: {  	_ =	swait.ge [sflag:s31], $0x4000  }
0xac: {  	[sflag:s31] =	ssyncset.done $0x0  }
0xad: {  	[sflag:s31] =	ssyncadd.s32 $0xFFFFC000  }
0xae: {  	_ =	swait.ge [sflag:s1], $0x4000  }
0xaf: {  	[sflag:s1] =	ssyncset.done $0x0  }
0xb0: {  	[sflag:s1] =	ssyncadd.s32 $0xFFFFC000  }
0xb1: {  	_ =	swait.ge [sflag:s0], $0x4000  }
0xb2: {  	s18 =	rddreg [dreg:$0xe]  }
0xb3: {  	s19 =	rddreg [dreg:$0xc];
	s9 =	sadd.s32 $0x1, s18  }
0xb4: {  	p0 =	sne.s32 s9, s19  }
.Ltmp1:
0xb5: {  	_ = 	snop;
	(pc) =	sbr.rel @p0 .LBB2_1-.Ltmp1, $3  }
0xb6: {  	_ =	sdelay $0x1  }
0xb7: {  	[sflag:s0] =	ssyncset.done $0x0  }
0xb8: {  	[sflag:s0] =	ssyncadd.s32 $0xFFFFC000  }
0xb9: {  	_ =	sfence.sel $0x180000  }
0xba: {  	[bflag:$0x0] =	sbarrier.arrive $0xFFFF  }
0xbb: {  	_ =	strace $0x90000047  }
0xbc: {  	s0 =	stileid.u32;
	[bflag:$0x2] =	sbarrier.arrive $0xFFFF  }
0xbd: {  	p0 =	sne.s32 s0, $0x0;
	s0 =	rddreg [dreg:$0x2]  }
0xbe: {  	s0 =	sadd.s32 @!p0 $0x100000, s0  }
0xbf: {  	[sflag:s0] =	ssyncadd.tile.s32 @!p0 $0x1;
	_ =	shalt  }
.Lfunc_end2:
_tile_overlayer_lowered:
.L_overlay_start_2:
0xc0: {  	(tag) =	ssettag $0x2  }
0xc1: {  	s0 =	rddreg [dreg:$0x0];
	s2 =	stileid.u32  }
0xc2: {  	s1 =	rddreg [dreg:$0x1];
	p0 =	sne.s32 s2, $0x0  }
0xc3: {  	s3 =	rddreg [dreg:$0x2];
	[bflag:$0x3] =	sbarrier.arrive $0xFFFF;
	s2 =	simm.s32 @!p0 $0x1C09  }
0xc4: {  	[timem:s3], [sflag:s2] =	dma.local @!p0 [hbm:s0], s1  }
0xc5: {  	s0 =	simm.s32 @!p0 $0x9  }
0xc6: {  	_ =	swait.ge @!p0 [sflag:s0], s1  }
0xc7: {  	s1 =	ssub.s32 @!p0 $0x0, s1;
	[sflag:s0] =	ssyncset.done @!p0 $0x0  }
0xc8: {  	[sflag:s0] =	ssyncadd.s32 @!p0 s1  }
0xc9: {  	[bflag:$0x3] =	sbarrier.arrive $0xFFFF  }
0xca: {  	_ =	shalt  }

</sc_bundles>
